<compile_context>
chip_gen: v7x
topology: tpu7x:2x2x1
jax: 0.10.2.dev20260603
libtpu: 0.0.44.dev20260713+nightly
codegen_flags: <defaults>
</compile_context>

<pallas_src>
import functools

import jax
import jax.numpy as jnp
from jax import lax
from jax.experimental import pallas as pl
from jax.experimental.pallas import tpu as pltpu
from jax.experimental.pallas import tpu_sc as plsc

D_MODEL = 1024
NC = 2
NS = 16
NW = NC * NS

C = 32
NBUF = 2


def _make_embed(batch, seq):
    B = batch * seq
    n_per_w = B // NW
    nchunks = n_per_w // C
    w_per_row = seq // n_per_w
    mesh = plsc.VectorSubcoreMesh(
        core_axis_name="c", subcore_axis_name="s",
        num_cores=NC, num_subcores=NS)

    @functools.partial(
        pl.kernel,
        mesh=mesh,
        out_type=jax.ShapeDtypeStruct((batch, seq, D_MODEL), jnp.float32),
        scratch_types=(
            [pltpu.VMEM((n_per_w,), jnp.int32)]
            + [pltpu.VMEM((C, D_MODEL), jnp.float32) for _ in range(NBUF)]
            + [pltpu.SemaphoreType.DMA for _ in range(2 * NBUF)]
        ),
    )
    def embed(tokens_hbm, table_hbm, out_hbm, idx_v, *rest):
        bufs = rest[:NBUF]
        gsems = rest[NBUF:2 * NBUF]
        wsems = rest[2 * NBUF:]
        wid = lax.axis_index("s") * NC + lax.axis_index("c")
        bi = wid // w_per_row
        col0 = (wid % w_per_row) * n_per_w

        pltpu.sync_copy(tokens_hbm.at[bi, pl.ds(col0, n_per_w)], idx_v)

        def gather(j, b):
            return pltpu.make_async_copy(
                table_hbm.at[idx_v.at[pl.ds(j * C, C)]], bufs[b], gsems[b])

        def write(j, b):
            return pltpu.make_async_copy(
                bufs[b], out_hbm.at[bi, pl.ds(col0 + j * C, C)], wsems[b])

        for b in range(NBUF):
            gather(b, b).start()

        def body(g, _):
            j0 = g * NBUF
            for b in range(NBUF):
                j = j0 + b
                gather(j, b).wait()
                write(j, b).start()
                write(j, b).wait()
                gather(j + NBUF, b).start()
            return ()

        lax.fori_loop(0, nchunks // NBUF - 1, body, (), unroll=False)

        j0 = nchunks - NBUF
        for b in range(NBUF):
            gather(j0 + b, b).wait()
            write(j0 + b, b).start()
        for b in range(NBUF):
            write(j0 + b, b).wait()

    return embed


@jax.jit
def kernel(tokens, W_E):
    batch, seq = tokens.shape
    return _make_embed(batch, seq)(tokens.astype(jnp.int32), W_E)

# --- scband reference (transcript-rebuilt; emitter-appended) ---
"""Pipeline reference for scband-embed-9199819948110 (READ-ONLY COPY).

The authoritative reference and input builder live on the scoring server;
editing this copy changes nothing except your own understanding.
"""

import jax, jax.numpy as jnp
import numpy as np

D_VOCAB = 100000
D_MODEL = 1024
BATCH = 4
SEQ = 4096


def setup_inputs(seed: int = 0) -> dict:
    key = jax.random.key(seed)
    k_tok, k_we = jax.random.split(key)
    tokens = jax.random.randint(k_tok, (BATCH, SEQ), 0, D_VOCAB, dtype=jnp.int64 if jax.config.read('jax_enable_x64') else jnp.int32)
    W_E = jax.random.normal(k_we, (D_VOCAB, D_MODEL), dtype=jnp.float32) * 0.02
    return {"tokens": tokens, "W_E": W_E}


def reference(tokens, W_E):
    # Embed.forward with post_embedding_ln=False: pure row gather from W_E
    out = jnp.take(W_E, tokens, axis=0)  # [batch, pos, d_model]
    return out

if __name__ == "__main__":
    import jax
    _d = setup_inputs()
    print(jax.jit(kernel)(*tuple(_d.values())))

</pallas_src>

<mosaic_0001>
#map = affine_map<(d0, d1) -> (0, 0)>
#map1 = affine_map<(d0, d1) -> (0, 0, 0)>
module attributes {stable_mosaic.version = 14 : i64} {
  func.func @embed(%arg0: i32, %arg1: i32, %arg2: memref<4x4096xi32, #tpu.memory_space<hbm>>, %arg3: memref<100000x1024xf32, #tpu.memory_space<hbm>>, %arg4: memref<4x4096x1024xf32, #tpu.memory_space<hbm>>, %arg5: memref<512xi32, #tpu.memory_space<vmem>>, %arg6: memref<32x1024xf32, #tpu.memory_space<vmem>>, %arg7: memref<32x1024xf32, #tpu.memory_space<vmem>>, %arg8: memref<!tpu.dma_semaphore, #tpu.memory_space<semaphore_mem>>, %arg9: memref<!tpu.dma_semaphore, #tpu.memory_space<semaphore_mem>>, %arg10: memref<!tpu.dma_semaphore, #tpu.memory_space<semaphore_mem>>, %arg11: memref<!tpu.dma_semaphore, #tpu.memory_space<semaphore_mem>>) attributes {dimension_semantics = [#tpu.dimension_semantics<core_parallel>, #tpu.dimension_semantics<subcore_parallel>], iteration_bounds = array<i64: 2, 16>, scalar_prefetch = 0 : i64, scratch_operands = 7 : i64, tpu.core_type = #tpu.core_type<sc_vector_subcore>, window_params = [{transform_indices = #map}, {transform_indices = #map}, {transform_indices = #map1}]} {
    %mul3A = arith.constant 2 : i32
    %mul3A_0 = arith.muli %arg1, %mul3A : i32
    %add3A = arith.addi %mul3A_0, %arg0 : i32
    %jit3A = arith.constant 8 : i32
    %div3A = arith.divsi %add3A, %jit3A : i32
    %sign3A = arith.constant 0 : i32
    %sign3A_1 = arith.cmpi sgt, %add3A, %sign3A : i32
    %sign3A_2 = arith.extui %sign3A_1 : i1 to i32
    %sign3A_3 = arith.constant 0 : i32
    %sign3A_4 = arith.cmpi slt, %add3A, %sign3A_3 : i32
    %sign3A_5 = arith.extui %sign3A_4 : i1 to i32
    %sign3A_6 = arith.subi %sign3A_2, %sign3A_5 : i32
    %sign3A_7 = arith.constant 0 : i32
    %sign3A_8 = arith.cmpi sgt, %jit3A, %sign3A_7 : i32
    %sign3A_9 = arith.extui %sign3A_8 : i1 to i32
    %sign3A_10 = arith.constant 0 : i32
    %sign3A_11 = arith.cmpi slt, %jit3A, %sign3A_10 : i32
    %sign3A_12 = arith.extui %sign3A_11 : i1 to i32
    %sign3A_13 = arith.subi %sign3A_9, %sign3A_12 : i32
    %ne3A = arith.cmpi ne, %sign3A_6, %sign3A_13 : i32
    %rem3A = arith.remsi %add3A, %jit3A : i32
    %ne3A_14 = arith.constant 0 : i32
    %ne3A_15 = arith.cmpi ne, %rem3A, %ne3A_14 : i32
    %and3A = arith.andi %ne3A, %ne3A_15 : i1
    %sub3A = arith.constant 1 : i32
    %sub3A_16 = arith.subi %div3A, %sub3A : i32
    %select_n3A = arith.select %and3A, %sub3A_16, %div3A : i32
    %jit3A_17 = arith.constant 8 : i32
    %eq3A = arith.constant 0 : i32
    %eq3A_18 = arith.cmpi eq, %jit3A_17, %eq3A : i32
    %jit3A_19 = arith.constant 1 : i32
    %select_n3A_20 = arith.select %eq3A_18, %jit3A_19, %jit3A_17 : i32
    %rem3A_21 = arith.remsi %add3A, %select_n3A_20 : i32
    %ne3A_22 = arith.constant 0 : i32
    %ne3A_23 = arith.cmpi ne, %rem3A_21, %ne3A_22 : i32
    %lt3A = arith.constant 0 : i32
    %lt3A_24 = arith.cmpi slt, %rem3A_21, %lt3A : i32
    %lt3A_25 = arith.constant 0 : i32
    %lt3A_26 = arith.cmpi slt, %select_n3A_20, %lt3A_25 : i32
    %ne3A_27 = arith.xori %lt3A_24, %lt3A_26 : i1
    %and3A_28 = arith.andi %ne3A_27, %ne3A_23 : i1
    %add3A_29 = arith.addi %rem3A_21, %select_n3A_20 : i32
    %select_n3A_30 = arith.select %and3A_28, %add3A_29, %rem3A_21 : i32
    %mul3A_31 = arith.constant 512 : i32
    %mul3A_32 = arith.muli %select_n3A_30, %mul3A_31 : i32
    "tpu.region"() ({
      %run_scoped3A = tpu.sem_alloc : memref<!tpu.dma_semaphore, #tpu.memory_space<semaphore_mem>>
      %dma_start3A_87 = tpu.memref_slice %arg2[%select_n3A, %mul3A_32] : memref<4x4096xi32, #tpu.memory_space<hbm>> -> memref<1x512xi32, #tpu.memory_space<hbm>>
      %dma_start3A_88 = tpu.memref_squeeze %dma_start3A_87 : memref<1x512xi32, #tpu.memory_space<hbm>> -> memref<512xi32, #tpu.memory_space<hbm>>
      %dma_start3A_89 = tpu.memref_slice %arg2[%select_n3A, %mul3A_32] : memref<4x4096xi32, #tpu.memory_space<hbm>> -> memref<1x512xi32, #tpu.memory_space<hbm>>
      %dma_start3A_90 = tpu.memref_squeeze %dma_start3A_89 : memref<1x512xi32, #tpu.memory_space<hbm>> -> memref<512xi32, #tpu.memory_space<hbm>>
      tpu.enqueue_dma source(%dma_start3A_90 : memref<512xi32, #tpu.memory_space<hbm>>) target(%arg5 : memref<512xi32, #tpu.memory_space<vmem>>) target_semaphore(%run_scoped3A : memref<!tpu.dma_semaphore, #tpu.memory_space<semaphore_mem>>)
      %dma_wait3A_91 = tpu.memref_slice %arg2[%select_n3A, %mul3A_32] : memref<4x4096xi32, #tpu.memory_space<hbm>> -> memref<1x512xi32, #tpu.memory_space<hbm>>
      %dma_wait3A_92 = tpu.memref_squeeze %dma_wait3A_91 : memref<1x512xi32, #tpu.memory_space<hbm>> -> memref<512xi32, #tpu.memory_space<hbm>>
      %dma_wait3A_93 = tpu.memref_slice %arg2[%select_n3A, %mul3A_32] : memref<4x4096xi32, #tpu.memory_space<hbm>> -> memref<1x512xi32, #tpu.memory_space<hbm>>
      %dma_wait3A_94 = tpu.memref_squeeze %dma_wait3A_93 : memref<1x512xi32, #tpu.memory_space<hbm>> -> memref<512xi32, #tpu.memory_space<hbm>>
      tpu.wait_dma2 semaphore(%run_scoped3A : memref<!tpu.dma_semaphore, #tpu.memory_space<semaphore_mem>>) src(%dma_wait3A_94 : memref<512xi32, #tpu.memory_space<hbm>>) dst(%arg5 : memref<512xi32, #tpu.memory_space<vmem>>)
      tpu.yield
    }) : () -> ()
    %dma_start3A = arith.constant 0 : i32
    %dma_start3A_33 = tpu.memref_slice %arg5[%dma_start3A] : memref<512xi32, #tpu.memory_space<vmem>> -> memref<32xi32, #tpu.memory_space<vmem>>
    %dma_start3A_34 = arith.constant 0 : i32
    %dma_start3A_35 = arith.constant 0 : i32
    %dma_start3A_36 = tpu.memref_slice %arg3[%dma_start3A_34, %dma_start3A_35] : memref<100000x1024xf32, #tpu.memory_space<hbm>> -> memref<100000x1024xf32, #tpu.memory_space<hbm>>
    tpu.enqueue_indirect_dma source(%dma_start3A_36 : memref<100000x1024xf32, #tpu.memory_space<hbm>>) target(%arg6 : memref<32x1024xf32, #tpu.memory_space<vmem>>) offsets(%dma_start3A_33 : memref<32xi32, #tpu.memory_space<vmem>>) semaphore(%arg8 : memref<!tpu.dma_semaphore, #tpu.memory_space<semaphore_mem>>)
    %dma_start3A_37 = arith.constant 32 : i32
    %dma_start3A_38 = tpu.memref_slice %arg5[%dma_start3A_37] : memref<512xi32, #tpu.memory_space<vmem>> -> memref<32xi32, #tpu.memory_space<vmem>>
    %dma_start3A_39 = arith.constant 0 : i32
    %dma_start3A_40 = arith.constant 0 : i32
    %dma_start3A_41 = tpu.memref_slice %arg3[%dma_start3A_39, %dma_start3A_40] : memref<100000x1024xf32, #tpu.memory_space<hbm>> -> memref<100000x1024xf32, #tpu.memory_space<hbm>>
    tpu.enqueue_indirect_dma source(%dma_start3A_41 : memref<100000x1024xf32, #tpu.memory_space<hbm>>) target(%arg7 : memref<32x1024xf32, #tpu.memory_space<vmem>>) offsets(%dma_start3A_38 : memref<32xi32, #tpu.memory_space<vmem>>) semaphore(%arg9 : memref<!tpu.dma_semaphore, #tpu.memory_space<semaphore_mem>>)
    %scan3A = arith.constant 0 : i32
    %scan3A_42 = arith.constant 7 : i32
    %scan3A_43 = arith.addi %scan3A, %scan3A_42 : i32
    %scan3A_44 = arith.constant 1 : i32
    scf.for %scan3A_87 = %scan3A to %scan3A_43 step %scan3A_44  : i32 {
      %mul3A_88 = arith.constant 2 : i32
      %mul3A_89 = arith.muli %scan3A_87, %mul3A_88 : i32
      %add3A_90 = arith.constant 0 : i32
      %add3A_91 = arith.addi %mul3A_89, %add3A_90 : i32
      %mul3A_92 = arith.constant 32 : i32
      %mul3A_93 = arith.muli %add3A_91, %mul3A_92 : i32
      %dma_wait3A_94 = tpu.memref_slice %arg5[%mul3A_93] : memref<512xi32, #tpu.memory_space<vmem>> -> memref<32xi32, #tpu.memory_space<vmem>>
      %dma_wait3A_95 = arith.constant 0 : i32
      %dma_wait3A_96 = arith.constant 0 : i32
      %dma_wait3A_97 = tpu.memref_slice %arg3[%dma_wait3A_95, %dma_wait3A_96] : memref<100000x1024xf32, #tpu.memory_space<hbm>> -> memref<100000x1024xf32, #tpu.memory_space<hbm>>
      tpu.wait_indirect_dma semaphore(%arg8 : memref<!tpu.dma_semaphore, #tpu.memory_space<semaphore_mem>>) src(%dma_wait3A_97 : memref<100000x1024xf32, #tpu.memory_space<hbm>>) dst(%arg6 : memref<32x1024xf32, #tpu.memory_space<vmem>>)
      %mul3A_98 = arith.constant 32 : i32
      %mul3A_99 = arith.muli %add3A_91, %mul3A_98 : i32
      %add3A_100 = arith.addi %mul3A_32, %mul3A_99 : i32
      %dma_start3A_101 = arith.constant 0 : i32
      %dma_start3A_102 = tpu.memref_slice %arg4[%select_n3A, %add3A_100, %dma_start3A_101] : memref<4x4096x1024xf32, #tpu.memory_space<hbm>> -> memref<1x32x1024xf32, #tpu.memory_space<hbm>>
      %dma_start3A_103 = tpu.memref_squeeze %dma_start3A_102 : memref<1x32x1024xf32, #tpu.memory_space<hbm>> -> memref<32x1024xf32, #tpu.memory_space<hbm>>
      %dma_start3A_104 = arith.constant 0 : i32
      %dma_start3A_105 = tpu.memref_slice %arg4[%select_n3A, %add3A_100, %dma_start3A_104] : memref<4x4096x1024xf32, #tpu.memory_space<hbm>> -> memref<1x32x1024xf32, #tpu.memory_space<hbm>>
      %dma_start3A_106 = tpu.memref_squeeze %dma_start3A_105 : memref<1x32x1024xf32, #tpu.memory_space<hbm>> -> memref<32x1024xf32, #tpu.memory_space<hbm>>
      tpu.enqueue_dma source(%arg6 : memref<32x1024xf32, #tpu.memory_space<vmem>>) target(%dma_start3A_106 : memref<32x1024xf32, #tpu.memory_space<hbm>>) target_semaphore(%arg10 : memref<!tpu.dma_semaphore, #tpu.memory_space<semaphore_mem>>)
      %mul3A_107 = arith.constant 32 : i32
      %mul3A_108 = arith.muli %add3A_91, %mul3A_107 : i32
      %add3A_109 = arith.addi %mul3A_32, %mul3A_108 : i32
      %dma_wait3A_110 = arith.constant 0 : i32
      %dma_wait3A_111 = tpu.memref_slice %arg4[%select_n3A, %add3A_109, %dma_wait3A_110] : memref<4x4096x1024xf32, #tpu.memory_space<hbm>> -> memref<1x32x1024xf32, #tpu.memory_space<hbm>>
      %dma_wait3A_112 = tpu.memref_squeeze %dma_wait3A_111 : memref<1x32x1024xf32, #tpu.memory_space<hbm>> -> memref<32x1024xf32, #tpu.memory_space<hbm>>
      %dma_wait3A_113 = arith.constant 0 : i32
      %dma_wait3A_114 = tpu.memref_slice %arg4[%select_n3A, %add3A_109, %dma_wait3A_113] : memref<4x4096x1024xf32, #tpu.memory_space<hbm>> -> memref<1x32x1024xf32, #tpu.memory_space<hbm>>
      %dma_wait3A_115 = tpu.memref_squeeze %dma_wait3A_114 : memref<1x32x1024xf32, #tpu.memory_space<hbm>> -> memref<32x1024xf32, #tpu.memory_space<hbm>>
      tpu.wait_dma2 semaphore(%arg10 : memref<!tpu.dma_semaphore, #tpu.memory_space<semaphore_mem>>) src(%arg6 : memref<32x1024xf32, #tpu.memory_space<vmem>>) dst(%dma_wait3A_115 : memref<32x1024xf32, #tpu.memory_space<hbm>>)
      %add3A_116 = arith.constant 2 : i32
      %add3A_117 = arith.addi %add3A_91, %add3A_116 : i32
      %mul3A_118 = arith.constant 32 : i32
      %mul3A_119 = arith.muli %add3A_117, %mul3A_118 : i32
      %dma_start3A_120 = tpu.memref_slice %arg5[%mul3A_119] : memref<512xi32, #tpu.memory_space<vmem>> -> memref<32xi32, #tpu.memory_space<vmem>>
      %dma_start3A_121 = arith.constant 0 : i32
      %dma_start3A_122 = arith.constant 0 : i32
      %dma_start3A_123 = tpu.memref_slice %arg3[%dma_start3A_121, %dma_start3A_122] : memref<100000x1024xf32, #tpu.memory_space<hbm>> -> memref<100000x1024xf32, #tpu.memory_space<hbm>>
      tpu.enqueue_indirect_dma source(%dma_start3A_123 : memref<100000x1024xf32, #tpu.memory_space<hbm>>) target(%arg6 : memref<32x1024xf32, #tpu.memory_space<vmem>>) offsets(%dma_start3A_120 : memref<32xi32, #tpu.memory_space<vmem>>) semaphore(%arg8 : memref<!tpu.dma_semaphore, #tpu.memory_space<semaphore_mem>>)
      %add3A_124 = arith.constant 1 : i32
      %add3A_125 = arith.addi %mul3A_89, %add3A_124 : i32
      %mul3A_126 = arith.constant 32 : i32
      %mul3A_127 = arith.muli %add3A_125, %mul3A_126 : i32
      %dma_wait3A_128 = tpu.memref_slice %arg5[%mul3A_127] : memref<512xi32, #tpu.memory_space<vmem>> -> memref<32xi32, #tpu.memory_space<vmem>>
      %dma_wait3A_129 = arith.constant 0 : i32
      %dma_wait3A_130 = arith.constant 0 : i32
      %dma_wait3A_131 = tpu.memref_slice %arg3[%dma_wait3A_129, %dma_wait3A_130] : memref<100000x1024xf32, #tpu.memory_space<hbm>> -> memref<100000x1024xf32, #tpu.memory_space<hbm>>
      tpu.wait_indirect_dma semaphore(%arg9 : memref<!tpu.dma_semaphore, #tpu.memory_space<semaphore_mem>>) src(%dma_wait3A_131 : memref<100000x1024xf32, #tpu.memory_space<hbm>>) dst(%arg7 : memref<32x1024xf32, #tpu.memory_space<vmem>>)
      %mul3A_132 = arith.constant 32 : i32
      %mul3A_133 = arith.muli %add3A_125, %mul3A_132 : i32
      %add3A_134 = arith.addi %mul3A_32, %mul3A_133 : i32
      %dma_start3A_135 = arith.constant 0 : i32
      %dma_start3A_136 = tpu.memref_slice %arg4[%select_n3A, %add3A_134, %dma_start3A_135] : memref<4x4096x1024xf32, #tpu.memory_space<hbm>> -> memref<1x32x1024xf32, #tpu.memory_space<hbm>>
      %dma_start3A_137 = tpu.memref_squeeze %dma_start3A_136 : memref<1x32x1024xf32, #tpu.memory_space<hbm>> -> memref<32x1024xf32, #tpu.memory_space<hbm>>
      %dma_start3A_138 = arith.constant 0 : i32
      %dma_start3A_139 = tpu.memref_slice %arg4[%select_n3A, %add3A_134, %dma_start3A_138] : memref<4x4096x1024xf32, #tpu.memory_space<hbm>> -> memref<1x32x1024xf32, #tpu.memory_space<hbm>>
      %dma_start3A_140 = tpu.memref_squeeze %dma_start3A_139 : memref<1x32x1024xf32, #tpu.memory_space<hbm>> -> memref<32x1024xf32, #tpu.memory_space<hbm>>
      tpu.enqueue_dma source(%arg7 : memref<32x1024xf32, #tpu.memory_space<vmem>>) target(%dma_start3A_140 : memref<32x1024xf32, #tpu.memory_space<hbm>>) target_semaphore(%arg11 : memref<!tpu.dma_semaphore, #tpu.memory_space<semaphore_mem>>)
      %mul3A_141 = arith.constant 32 : i32
      %mul3A_142 = arith.muli %add3A_125, %mul3A_141 : i32
      %add3A_143 = arith.addi %mul3A_32, %mul3A_142 : i32
      %dma_wait3A_144 = arith.constant 0 : i32
      %dma_wait3A_145 = tpu.memref_slice %arg4[%select_n3A, %add3A_143, %dma_wait3A_144] : memref<4x4096x1024xf32, #tpu.memory_space<hbm>> -> memref<1x32x1024xf32, #tpu.memory_space<hbm>>
      %dma_wait3A_146 = tpu.memref_squeeze %dma_wait3A_145 : memref<1x32x1024xf32, #tpu.memory_space<hbm>> -> memref<32x1024xf32, #tpu.memory_space<hbm>>
      %dma_wait3A_147 = arith.constant 0 : i32
      %dma_wait3A_148 = tpu.memref_slice %arg4[%select_n3A, %add3A_143, %dma_wait3A_147] : memref<4x4096x1024xf32, #tpu.memory_space<hbm>> -> memref<1x32x1024xf32, #tpu.memory_space<hbm>>
      %dma_wait3A_149 = tpu.memref_squeeze %dma_wait3A_148 : memref<1x32x1024xf32, #tpu.memory_space<hbm>> -> memref<32x1024xf32, #tpu.memory_space<hbm>>
      tpu.wait_dma2 semaphore(%arg11 : memref<!tpu.dma_semaphore, #tpu.memory_space<semaphore_mem>>) src(%arg7 : memref<32x1024xf32, #tpu.memory_space<vmem>>) dst(%dma_wait3A_149 : memref<32x1024xf32, #tpu.memory_space<hbm>>)
      %add3A_150 = arith.constant 2 : i32
      %add3A_151 = arith.addi %add3A_125, %add3A_150 : i32
      %mul3A_152 = arith.constant 32 : i32
      %mul3A_153 = arith.muli %add3A_151, %mul3A_152 : i32
      %dma_start3A_154 = tpu.memref_slice %arg5[%mul3A_153] : memref<512xi32, #tpu.memory_space<vmem>> -> memref<32xi32, #tpu.memory_space<vmem>>
      %dma_start3A_155 = arith.constant 0 : i32
      %dma_start3A_156 = arith.constant 0 : i32
      %dma_start3A_157 = tpu.memref_slice %arg3[%dma_start3A_155, %dma_start3A_156] : memref<100000x1024xf32, #tpu.memory_space<hbm>> -> memref<100000x1024xf32, #tpu.memory_space<hbm>>
      tpu.enqueue_indirect_dma source(%dma_start3A_157 : memref<100000x1024xf32, #tpu.memory_space<hbm>>) target(%arg7 : memref<32x1024xf32, #tpu.memory_space<vmem>>) offsets(%dma_start3A_154 : memref<32xi32, #tpu.memory_space<vmem>>) semaphore(%arg9 : memref<!tpu.dma_semaphore, #tpu.memory_space<semaphore_mem>>)
    }
    %scan3A_45 = arith.constant 7 : i32
    %dma_wait3A = arith.constant 448 : i32
    %dma_wait3A_46 = tpu.memref_slice %arg5[%dma_wait3A] : memref<512xi32, #tpu.memory_space<vmem>> -> memref<32xi32, #tpu.memory_space<vmem>>
    %dma_wait3A_47 = arith.constant 0 : i32
    %dma_wait3A_48 = arith.constant 0 : i32
    %dma_wait3A_49 = tpu.memref_slice %arg3[%dma_wait3A_47, %dma_wait3A_48] : memref<100000x1024xf32, #tpu.memory_space<hbm>> -> memref<100000x1024xf32, #tpu.memory_space<hbm>>
    tpu.wait_indirect_dma semaphore(%arg8 : memref<!tpu.dma_semaphore, #tpu.memory_space<semaphore_mem>>) src(%dma_wait3A_49 : memref<100000x1024xf32, #tpu.memory_space<hbm>>) dst(%arg6 : memref<32x1024xf32, #tpu.memory_space<vmem>>)
    %add3A_50 = arith.constant 448 : i32
    %add3A_51 = arith.addi %mul3A_32, %add3A_50 : i32
    %dma_start3A_52 = arith.constant 0 : i32
    %dma_start3A_53 = tpu.memref_slice %arg4[%select_n3A, %add3A_51, %dma_start3A_52] : memref<4x4096x1024xf32, #tpu.memory_space<hbm>> -> memref<1x32x1024xf32, #tpu.memory_space<hbm>>
    %dma_start3A_54 = tpu.memref_squeeze %dma_start3A_53 : memref<1x32x1024xf32, #tpu.memory_space<hbm>> -> memref<32x1024xf32, #tpu.memory_space<hbm>>
    %dma_start3A_55 = arith.constant 0 : i32
    %dma_start3A_56 = tpu.memref_slice %arg4[%select_n3A, %add3A_51, %dma_start3A_55] : memref<4x4096x1024xf32, #tpu.memory_space<hbm>> -> memref<1x32x1024xf32, #tpu.memory_space<hbm>>
    %dma_start3A_57 = tpu.memref_squeeze %dma_start3A_56 : memref<1x32x1024xf32, #tpu.memory_space<hbm>> -> memref<32x1024xf32, #tpu.memory_space<hbm>>
    tpu.enqueue_dma source(%arg6 : memref<32x1024xf32, #tpu.memory_space<vmem>>) target(%dma_start3A_57 : memref<32x1024xf32, #tpu.memory_space<hbm>>) target_semaphore(%arg10 : memref<!tpu.dma_semaphore, #tpu.memory_space<semaphore_mem>>)
    %dma_wait3A_58 = arith.constant 480 : i32
    %dma_wait3A_59 = tpu.memref_slice %arg5[%dma_wait3A_58] : memref<512xi32, #tpu.memory_space<vmem>> -> memref<32xi32, #tpu.memory_space<vmem>>
    %dma_wait3A_60 = arith.constant 0 : i32
    %dma_wait3A_61 = arith.constant 0 : i32
    %dma_wait3A_62 = tpu.memref_slice %arg3[%dma_wait3A_60, %dma_wait3A_61] : memref<100000x1024xf32, #tpu.memory_space<hbm>> -> memref<100000x1024xf32, #tpu.memory_space<hbm>>
    tpu.wait_indirect_dma semaphore(%arg9 : memref<!tpu.dma_semaphore, #tpu.memory_space<semaphore_mem>>) src(%dma_wait3A_62 : memref<100000x1024xf32, #tpu.memory_space<hbm>>) dst(%arg7 : memref<32x1024xf32, #tpu.memory_space<vmem>>)
    %add3A_63 = arith.constant 480 : i32
    %add3A_64 = arith.addi %mul3A_32, %add3A_63 : i32
    %dma_start3A_65 = arith.constant 0 : i32
    %dma_start3A_66 = tpu.memref_slice %arg4[%select_n3A, %add3A_64, %dma_start3A_65] : memref<4x4096x1024xf32, #tpu.memory_space<hbm>> -> memref<1x32x1024xf32, #tpu.memory_space<hbm>>
    %dma_start3A_67 = tpu.memref_squeeze %dma_start3A_66 : memref<1x32x1024xf32, #tpu.memory_space<hbm>> -> memref<32x1024xf32, #tpu.memory_space<hbm>>
    %dma_start3A_68 = arith.constant 0 : i32
    %dma_start3A_69 = tpu.memref_slice %arg4[%select_n3A, %add3A_64, %dma_start3A_68] : memref<4x4096x1024xf32, #tpu.memory_space<hbm>> -> memref<1x32x1024xf32, #tpu.memory_space<hbm>>
    %dma_start3A_70 = tpu.memref_squeeze %dma_start3A_69 : memref<1x32x1024xf32, #tpu.memory_space<hbm>> -> memref<32x1024xf32, #tpu.memory_space<hbm>>
    tpu.enqueue_dma source(%arg7 : memref<32x1024xf32, #tpu.memory_space<vmem>>) target(%dma_start3A_70 : memref<32x1024xf32, #tpu.memory_space<hbm>>) target_semaphore(%arg11 : memref<!tpu.dma_semaphore, #tpu.memory_space<semaphore_mem>>)
    %add3A_71 = arith.constant 448 : i32
    %add3A_72 = arith.addi %mul3A_32, %add3A_71 : i32
    %dma_wait3A_73 = arith.constant 0 : i32
    %dma_wait3A_74 = tpu.memref_slice %arg4[%select_n3A, %add3A_72, %dma_wait3A_73] : memref<4x4096x1024xf32, #tpu.memory_space<hbm>> -> memref<1x32x1024xf32, #tpu.memory_space<hbm>>
    %dma_wait3A_75 = tpu.memref_squeeze %dma_wait3A_74 : memref<1x32x1024xf32, #tpu.memory_space<hbm>> -> memref<32x1024xf32, #tpu.memory_space<hbm>>
    %dma_wait3A_76 = arith.constant 0 : i32
    %dma_wait3A_77 = tpu.memref_slice %arg4[%select_n3A, %add3A_72, %dma_wait3A_76] : memref<4x4096x1024xf32, #tpu.memory_space<hbm>> -> memref<1x32x1024xf32, #tpu.memory_space<hbm>>
    %dma_wait3A_78 = tpu.memref_squeeze %dma_wait3A_77 : memref<1x32x1024xf32, #tpu.memory_space<hbm>> -> memref<32x1024xf32, #tpu.memory_space<hbm>>
    tpu.wait_dma2 semaphore(%arg10 : memref<!tpu.dma_semaphore, #tpu.memory_space<semaphore_mem>>) src(%arg6 : memref<32x1024xf32, #tpu.memory_space<vmem>>) dst(%dma_wait3A_78 : memref<32x1024xf32, #tpu.memory_space<hbm>>)
    %add3A_79 = arith.constant 480 : i32
    %add3A_80 = arith.addi %mul3A_32, %add3A_79 : i32
    %dma_wait3A_81 = arith.constant 0 : i32
    %dma_wait3A_82 = tpu.memref_slice %arg4[%select_n3A, %add3A_80, %dma_wait3A_81] : memref<4x4096x1024xf32, #tpu.memory_space<hbm>> -> memref<1x32x1024xf32, #tpu.memory_space<hbm>>
    %dma_wait3A_83 = tpu.memref_squeeze %dma_wait3A_82 : memref<1x32x1024xf32, #tpu.memory_space<hbm>> -> memref<32x1024xf32, #tpu.memory_space<hbm>>
    %dma_wait3A_84 = arith.constant 0 : i32
    %dma_wait3A_85 = tpu.memref_slice %arg4[%select_n3A, %add3A_80, %dma_wait3A_84] : memref<4x4096x1024xf32, #tpu.memory_space<hbm>> -> memref<1x32x1024xf32, #tpu.memory_space<hbm>>
    %dma_wait3A_86 = tpu.memref_squeeze %dma_wait3A_85 : memref<1x32x1024xf32, #tpu.memory_space<hbm>> -> memref<32x1024xf32, #tpu.memory_space<hbm>>
    tpu.wait_dma2 semaphore(%arg11 : memref<!tpu.dma_semaphore, #tpu.memory_space<semaphore_mem>>) src(%arg7 : memref<32x1024xf32, #tpu.memory_space<vmem>>) dst(%dma_wait3A_86 : memref<32x1024xf32, #tpu.memory_space<hbm>>)
    return
  }
}

</mosaic_0001>

<sc_bundles>
// kernel: kernel.3.cloned.1.call-start
scs
__scs_entry_jumppad:
0x0: {  	(pc) =	sbr.rel $0x88, $3  }
0x1: {  	(tag) =	ssettag $0x0;
	lr =	simm.s32 $0x1  }
0x2: {  	[smem:$0x3F9F] =	sst lr;
	_ =	strace $0xD0000000  }
0x3: {  	_ = 	snop  }
0x4: {  	_ = 	snop  }
0x5: {  	_ = 	snop  }
0x6: {  	_ = 	snop  }
0x7: {  	_ = 	snop  }
__scs_overlays_trampoline_lowered:
0x8: {  	[smem:$0x3FAE] =	sst s0  }
0x9: {  	[smem:$0x3FAF] =	sst s1  }
0xa: {  	[smem:$0x3FB0] =	sst s2  }
0xb: {  	[smem:$0x3FB1] =	sst s3  }
0xc: {  	[smem:$0x3FB2] =	sst s4  }
0xd: {  	[smem:$0x3FB3] =	sst s5  }
0xe: {  	[smem:$0x3FB4] =	sst s6  }
0xf: {  	[smem:$0x3FB5] =	sst s7  }
0x10: {  	[smem:$0x3FB6] =	sst s8  }
0x11: {  	[smem:$0x3FB7] =	sst s9;
	s0 =	simm.s32 @!p0 $0x0  }
0x12: {  	s1 =	sld [smem:$0x3F9D];
	s0 =	simm.s32 @p0 $0x1  }
0x13: {  	[smem:$0x3FB8] =	sst s0;
	s0 =	simm.s32 @!p1 $0x0  }
0x14: {  	s2 =	sld [smem:$0x3F9C];
	s0 =	simm.s32 @p1 $0x1  }
0x15: {  	[smem:$0x3FB9] =	sst s0;
	s0 =	simm.s32 @!p2 $0x0  }
0x16: {  	s3 =	sld [smem:$0x3FDB];
	s0 =	simm.s32 @p2 $0x1  }
0x17: {  	s4 =	simm.s32 $0x1BF5;
	[smem:$0x3FBB] =	sst s0  }
0x18: {  	s0 =	sld [smem:$0x3F9E];
	_ =	swait.ge [sflag:s4], $0x0  }
0x19: {  	s7 =	sld [smem:$0x3F9F]  }
0x1a: {  	s8 =	sadd.s32 $0xFFFFE003, lr  }
0x1b: {  	s9 =	sadd.s32 $0xFFFFFEF7, lr;
	s5 =	simm.s32 $0xFFFFFFFF;
	p2 =	slt.u32 s8, $0xFFFFF086  }
0x1c: {  	p1 =	slt.u32 s9, $0xF7A;
	s5 =	simm.s32 @!p2 $0x0  }
0x1d: {  	s5 =	simm.s32 @p1 $0x1;
	p0 =	seq.s32 s7, s2  }
0x1e: {  	s7 =	smul.u32 @!p0 $0xF7A, s2;
	p2 =	seq.s32 @!p0 s5, $0x0  }
0x1f: {  	s9 =	smul.u32 $0xF7A, s1;
	s8 =	simm.s32 @!p0 $0x1BF5;
	p2 =	por !p2, p0  }
0x20: {  	[sflag:s8] =	ssyncset.s32 @!p0 $0xFFFFF086;
	s6 =	sadd.s32 @!p0 s3, s7;
	s7 =	simm.s32 @!p0 $0x108  }
0x21: {  	s3 =	sadd.s32 s3, s9;
	s6 =	sadd.s32 @!p0 $0x88, s6;
	s7 =	simm.s32 @p2 $0x1082  }
0x22: {  	[simem:s7], [sflag:s8] =	dma.local @!p0 [hbm:s6], $0xF7A  }
0x23: {  	s9 =	sor.u32 $0xD0000000, s2;
	s6 =	simm.s32 $0x108;
	_ =	swait.ge @!p0 [sflag:s8], $0x0  }
0x24: {  	s3 =	sadd.s32 $0x88, s3;
	s6 =	simm.s32 @!p1 $0x1082;
	[sflag:s4] =	ssyncset.s32 $0xFFFFF086  }
0x25: {  	[simem:s6], [sflag:s4] =	dma.local [hbm:s3], $0xF7A  }
0x26: {  	[smem:$0x3F9F] =	sst s1;
	(tag) =	ssettag s2;
	_ =	strace s9  }
0x27: {  	s1 =	sld [smem:$0x3FAF]  }
0x28: {  	s2 =	sld [smem:$0x3FB0]  }
0x29: {  	s4 =	sld [smem:$0x3FB2]  }
0x2a: {  	p0 =	seq.s32 s5, $0x0;
	s5 =	sld [smem:$0x3FB3]  }
0x2b: {  	s6 =	sld [smem:$0x3FB4]  }
0x2c: {  	s7 =	sld [smem:$0x3FB5]  }
0x2d: {  	s3 =	simm.s32 $0x108;
	s8 =	sld [smem:$0x3FB6]  }
0x2e: {  	s3 =	simm.s32 @!p0 $0x1082;
	s9 =	sld [smem:$0x3FB7]  }
0x2f: {  	lr =	sadd.s32 s0, s3;
	s0 =	sld [smem:$0x3FAE]  }
0x30: {  	s3 =	sld [smem:$0x3FB1]  }
0x31: {  	[smem:$0x3FBA] =	sst s10  }
0x32: {  	s10 =	sld [smem:$0x3FB8];
	_ =	sdelay $0x3  }
0x33: {  	p0 =	seq.s32 s10, $0x1;
	s10 =	sld [smem:$0x3FBA];
	_ =	sdelay $0x3  }
0x34: {  	[smem:$0x3FBA] =	sst s10  }
0x35: {  	s10 =	sld [smem:$0x3FB9];
	_ =	sdelay $0x3  }
0x36: {  	p1 =	seq.s32 s10, $0x1;
	s10 =	sld [smem:$0x3FBA];
	_ =	sdelay $0x3  }
0x37: {  	[smem:$0x3FBA] =	sst s10  }
0x38: {  	s10 =	sld [smem:$0x3FBB]  }
0x39: {  	_ = 	snop;
	(pc) =	sbr.ind lr, $3  }
0x3a: {  	_ = 	snop  }
0x3b: {  	_ = 	snop  }
0x3c: {  	p2 =	seq.s32 s10, $0x1;
	s10 =	sld [smem:$0x3FBA]  }
0x3d: {  	_ =	shalt  }
0x3e: {  	_ =	shalt  }
0x3f: {  	_ =	shalt  }
0x40: {  	_ =	shalt  }
0x41: {  	_ =	shalt  }
0x42: {  	_ =	shalt  }
0x43: {  	_ =	shalt  }
0x44: {  	_ =	shalt  }
0x45: {  	_ =	shalt  }
0x46: {  	_ =	shalt  }
0x47: {  	_ =	shalt  }
0x48: {  	_ =	shalt  }
0x49: {  	_ =	shalt  }
0x4a: {  	_ =	shalt  }
0x4b: {  	_ =	shalt  }
0x4c: {  	_ =	shalt  }
0x4d: {  	_ =	shalt  }
0x4e: {  	_ =	shalt  }
0x4f: {  	_ =	shalt  }
0x50: {  	_ =	shalt  }
0x51: {  	_ =	shalt  }
0x52: {  	_ =	shalt  }
0x53: {  	_ =	shalt  }
0x54: {  	_ =	shalt  }
0x55: {  	_ =	shalt  }
0x56: {  	_ =	shalt  }
0x57: {  	_ =	shalt  }
0x58: {  	_ =	shalt  }
0x59: {  	_ =	shalt  }
0x5a: {  	_ =	shalt  }
0x5b: {  	_ =	shalt  }
0x5c: {  	_ =	shalt  }
0x5d: {  	_ =	shalt  }
0x5e: {  	_ =	shalt  }
0x5f: {  	_ =	shalt  }
0x60: {  	_ =	shalt  }
0x61: {  	_ =	shalt  }
0x62: {  	_ =	shalt  }
0x63: {  	_ =	shalt  }
0x64: {  	_ =	shalt  }
0x65: {  	_ =	shalt  }
0x66: {  	_ =	shalt  }
0x67: {  	_ =	shalt  }
0x68: {  	_ =	shalt  }
0x69: {  	_ =	shalt  }
0x6a: {  	_ =	shalt  }
0x6b: {  	_ =	shalt  }
0x6c: {  	_ =	shalt  }
0x6d: {  	_ =	shalt  }
0x6e: {  	_ =	shalt  }
0x6f: {  	_ =	shalt  }
0x70: {  	_ =	shalt  }
0x71: {  	_ =	shalt  }
0x72: {  	_ =	shalt  }
0x73: {  	_ =	shalt  }
0x74: {  	_ =	shalt  }
0x75: {  	_ =	shalt  }
0x76: {  	_ =	shalt  }
0x77: {  	_ =	shalt  }
0x78: {  	_ =	shalt  }
0x79: {  	_ =	shalt  }
0x7a: {  	_ =	shalt  }
0x7b: {  	_ =	shalt  }
0x7c: {  	_ =	shalt  }
0x7d: {  	_ =	shalt  }
0x7e: {  	_ =	shalt  }
0x7f: {  	_ =	shalt  }
0x80: {  	_ =	shalt  }
0x81: {  	_ =	shalt  }
0x82: {  	_ =	shalt  }
0x83: {  	_ =	shalt  }
0x84: {  	_ =	shalt  }
0x85: {  	_ =	shalt  }
0x86: {  	_ =	shalt  }
0x87: {  	_ =	shalt  }
.Lfunc_end0:
.L_simem_size_0:
called_computation_lowered:
.L_overlay_start_0:
0x88: {  	s2 =	sld [smem:$0x3FD9]  }
0x89: {  	s3 =	sld [smem:$0x3FFE];
	_ =	sdelay $0x1  }
0x8a: {  	s1 =	srdreg.scid  }
0x8b: {  	s0 =	sand.u32 $0x1, s1  }
0x8c: {  	s18 =	sshll.u32 s0, $0xA;
	s2 =	sadd.s32 s3, s2  }
0x8d: {  	s2 =	sadd.s32 s2, s18  }
0x8e: {  	[smem:$0x3FC6] =	sst s2  }
0x8f: {  	_ = 	snop  }
0x90: {  	s2 =	sld [smem:$0x3FC9]  }
0x91: {  	s19 =	sld [smem:$0x3FC8]  }
0x92: {  	s4 =	sld [smem:$0x3FD0];
	(tm) =	ssettm $0x1  }
0x93: {  	s5 =	sld [smem:$0x3FFB];
	_ =	sdelay $0x3  }
0x94: {  	_ =	strace s5  }
0x95: {  	s5 =	sld [smem:$0x3FFC];
	_ =	sdelay $0x3  }
0x96: {  	_ =	strace s5  }
0x97: {  	s5 =	sld [smem:$0x3FFD];
	_ =	sdelay $0x3  }
0x98: {  	_ =	strace s5  }
0x99: {  	_ =	strace $0x8FFFFFFF  }
0x9a: {  	s20 =	sld [smem:$0x3FDB];
	_ =	sdelay $0x1  }
0x9b: {  	s6 =	simm.s32 $_scs_section_size  }
0x9c: {  	s7 =	simm.s32 $_size__tile_overlayer_lowered;
	s8 =	simm.s32 $_tile_overlayer_lowered  }
0x9d: {  	s23 =	simm.s32 $0x1BFF;
	s22 =	sshll.u32 s8, $0x1;
	s5 =	sadd.s32 s6, s20  }
0x9e: {  	s9 =	simm.s32 $0x0;
	s21 =	sshll.u32 s7, $0x1;
	s7 =	sadd.s32 s22, s5  }
0x9f: {  	[timem:s9], [sflag:s23] =	dma.local [hbm:s7], s21  }
0xa0: {  	_ =	swait.ge [sflag:s23], s21  }
0xa1: {  	s6 =	ssub.s32 $0x0, s21;
	[sflag:s23] =	ssyncset.done $0x0  }
0xa2: {  	[sflag:s23] =	ssyncadd.s32 s6;
	_ =	sdelay $0x1  }
0xa3: {  	s24 =	simm.s32 $0x1B8B  }
0xa4: {  	_ =	swait.ge [sflag:s24], $0x1  }
0xa5: {  	[sflag:s24] =	ssyncset.done $0x0  }
0xa6: {  	s25 =	simm.s32 $0x1B8E;
	[sflag:s24] =	ssyncadd.s32 $0xFFFFFFFF  }
0xa7: {  	s26 =	simm.s32 $execute0_lowered;
	[smem:$0x3FD2] =	sst s25  }
0xa8: {  	s6 =	sshll.u32 s26, $0x1;
	_ =	strace $0x80000046;
	[dreg:$0x1] =	wrdreg $0xFFFFFFFF  }
0xa9: {  	s28 =	simm.s32 $_size_execute0_lowered;
	s5 =	sadd.s32 s5, s6;
	[dreg:$0x0] =	wrdreg $0x0  }
0xaa: {  	s6 =	sshll.u32 s28, $0x1;
	[dreg:$0x2] =	wrdreg s5  }
0xab: {  	[dreg:$0x3] =	wrdreg s6  }
0xac: {  	[dreg:$0x4] =	wrdreg $0xC0  }
0xad: {  	_ =	task [dreg:s9], $0x5FFFF  }
0xae: {  	[dreg:$0x1] =	wrdreg $0xFFFFFFFF  }
0xaf: {  	[dreg:$0x0] =	wrdreg $0x60  }
0xb0: {  	[dreg:$0x2] =	wrdreg s2  }
0xb1: {  	[dreg:$0x3] =	wrdreg s19  }
0xb2: {  	[dreg:$0x4] =	wrdreg s4  }
0xb3: {  	[dreg:$0x5] =	wrdreg $0x9  }
0xb4: {  	_ =	task.clear_ibuf [dreg:s9], $0x6FFFF;
	_ =	strace $0x90000046  }
0xb5: {  	s29 =	simm.s32 $0x9;
	_ =	strace $0x80000048  }
0xb6: {  	_ =	swait.ge [sflag:s29], $0x1  }
0xb7: {  	[sflag:s29] =	ssyncadd.s32 $0xFFFFFFFF  }
0xb8: {  	_ =	strace $0x90000048  }
0xb9: {  	_ =	sfence  }
0xba: {  	s30 =	sld [smem:$0x0];
	_ =	sdelay $0x2  }
0xbb: {  	s31 =	sshll.u32 s1, $0xD;
	s1 =	sshrl.u32 s1, $0x2  }
0xbc: {  	s3 =	sand.u32 $0x4000, s31;
	s1 =	sadd.s32 s1, s30  }
0xbd: {  	s0 =	sor.u32 s3, s0;
	s1 =	sshll.u32 s1, $0x11  }
0xbe: {  	s0 =	sor.u32 s1, s0  }
0xbf: {  	s0 =	sadd.s32 $0x8F2B, s0  }
0xc0: {  	[sflag:s0] =	ssyncadd.remote.s32 $0x1  }
0xc1: {  	_ =	sfence.sel $0xFFFF  }
0xc2: {  	[dreg:$0x0] =	wrdreg $0xFFFFFFFF;
	(pc) =	sbr.abs _section_cstart, $3  }
0xc3: {  	[dreg:$0x1] =	wrdreg $0xFFFFFFFF  }
0xc4: {  	_ =	task.clear_ibuf [dreg:s9], $0x2FFFF;
	_ =	strace $0x9FFFFFFF  }
0xc5: {  	(tm) =	ssettm $0x7FFFFFFF  }
tec
execute0_lowered:
.L_overlay_start_1:
0x0: {  	(tag) =	ssettag $0x1  }
0x1: {  	s0 =	rddreg [dreg:$0x0]  }
0x2: {  	s1 =	rddreg [dreg:$0x1]  }
0x3: {  	s2 =	rddreg [dreg:$0x2];
	s3 =	simm.s32 $0x0;
	s4 =	srdreg.scid  }
0x4: {  	s10 =	stileid.u32;
	s28 =	simm.s32 $0x1200;
	s29 =	simm.s32 $0x1A00  }
0x5: {  	s31 =	simm.s32 $0x2200;
	s11 =	simm.s32 $0x3200;
	s13 =	simm.s32 $0x5A00  }
0x6: {  	s14 =	simm.s32 $0x6200;
	s15 =	simm.s32 $0x6A00;
	s16 =	simm.s32 $0x7200  }
0x7: {  	s17 =	simm.s32 $0x7A00;
	s18 =	simm.s32 $0x8A00;
	s12 =	simm.s32 $0x9A00  }
0x8: {  	[smem:$0x7FF] =	sst s3;
	s4 =	sand.u32 $0x1, s4;
	s5 =	sshll.u32 s10, $0x1  }
0x9: {  	s7 =	sshrl.u32 s10, $0x2;
	s21 =	sand.u32 $0x3, s10;
	s10 =	simm.s32 $0x5200  }
0xa: {  	_ =	strace $0x80000047;
	s6 =	ssub.s32 $0x2, s4;
	s5 =	sand.u32 $0x6, s5  }
0xb: {  	s9 =	sshll.u32 s7, $0x4;
	s22 =	sshll.u32 s7, $0x16;
	s7 =	sadd.s32 $0x300, s1  }
0xc: {  	s8 =	sshrl.u32 s6, $0x1;
	s5 =	sor.u32 s4, s5;
	s0 =	sadd.s32 s0, s9  }
0xd: {  	s4 =	sshll.u32 s4, $0x13;
	s8 =	ssub.s32 s6, s8;
	s19 =	sshll.u32 s5, $0x8  }
0xe: {  	s20 =	sshll.u32 s5, $0x13;
	s5 =	sadd.s32 $0x100, s1;
	s6 =	sadd.s32 $0x200, s1  }
0xf: {  	s0 =	sadd.s32 s19, s0;
	s9 =	sor.u32 s22, s20;
	s30 =	smax.u32 s8, $0x1  }
0x10: {  	s8 =	simm.s32 $0x4200;
	s19 =	simm.s32 $0x9200;
	s20 =	simm.s32 $0x1  }
0x11: {  	[dreg:$0x6] =	wrdreg s0;
	s0 =	sshll.u32 s21, $0x14;
	s23 =	sshrl.u32 s9, $0x3  }
0x12: {  	[dreg:$0x9] =	wrdreg s30;
	s21 =	simm.s32 $0x3;
	s0 =	sor.u32 s0, s22  }
0x13: {  	s22 =	simm.s32 $0x2;
	s0 =	sor.u32 s4, s0;
	s4 =	sadd.s32 s23, s2  }
0x14: {  	s23 =	simm.s32 $0x4;
	s24 =	sshrl.u32 s0, $0x3;
	s0 =	sor.u32 $0x8000, s0  }
0x15: {  	s25 =	sadd.s32 $0xE000, s4;
	s26 =	sadd.s32 $0xF000, s4;
	s4 =	simm.s32 $0x3A00  }
0x16: {  	s9 =	sadd.s32 s24, s2;
	s0 =	sshrl.u32 s0, $0x3;
	[dreg:$0x7] =	wrdreg s25  }
0x17: {  	v2 =	vlaneseq.u32;
	[dreg:$0x8] =	wrdreg s26;
	s26 =	simm.s32 $0xA00;
	s25 =	simm.s32 $0x0  }
0x18: {  	vm0 =	vmmov $0xffff;
	v1 =	vshrl.u32 v2, $0x3;
	[dreg:$0x4] =	wrdreg s9;
	s0 =	sadd.s32 s0, s2;
	s2 =	simm.s32 $0x2A00  }
0x19: {  	v0 =	vand.u32 $0x7, v2;
	v2 =	vor.u32 $0x8, v2;
	v1 =	vmul.u32 $0x8, v1;
	s9 =	simm.s32 $0x4A00;
	[dreg:$0x5] =	wrdreg s0;
	s0 =	simm.s32 $0x8200  }
.LBB2_1:
0x1a: {  	[dreg:$0xa] =	wrdreg s25  }
0x1b: {  	s24 =	rddreg [dreg:$0x6];
	s25 =	simm.s32 $0x80;
	s30 =	simm.s32 $0x200  }
0x1c: {  	[tilespmem:s3], [sflag:$0x5] =	stream.strided.gather [hbm4b:s24+s25], $0x200, s30, s25, $0x38;
	[tilespmem:$0x10200] =	vst v63  }
0x1d: {  	s25 =	simm.s32 $0x5  }
0x1e: {  	_ =	swait.ge [sflag:s25], $0x200  }
0x1f: {  	[sflag:s25] =	ssyncset.done $0x0  }
0x20: {  	[sflag:s25] =	ssyncadd.s32 $0xFFFFFE00  }
0x21: {  	v3 =	vld [tilespmem:$0x0];
	_ =	sdelay $0x4  }
0x22: {  	v4 =	vshll.u32 v3, $0x3  }
0x23: {  	v3 =	vand.u32 $0x7, v3;
	v4 =	vand.u32 $0xFFFFFFC0, v4  }
0x24: {  	v3 =	vor.u32 v3, v4  }
0x25: {  	v4 =	vperm.xlane v3, v0;
	_ =	sdelay $0x1  }
0x26: {  	v4 =	vadd.s32 v1, v4;
	_ =	sdelay $0x4  }
0x27: {  	[tilespmem:s30], [sflag:$0x1] =	stream.indirect_vreg.gather [hbm4b:s1+s3], $0x80, v4, vm0, $0xb8;
	[tilespmem:$0x10200] =	vst v63  }
0x28: {  	v3 =	vperm.xlane v3, v2  }
0x29: {  	[tilespmem:s26], [sflag:$0x1] =	stream.indirect_vreg.gather [hbm4b:s5+s3], $0x80, v4, vm0, $0xb8;
	[tilespmem:$0x10200] =	vst v63  }
0x2a: {  	v3 =	vadd.s32 v1, v3  }
0x2b: {  	[tilespmem:s28], [sflag:$0x1] =	stream.indirect_vreg.gather [hbm4b:s6+s3], $0x80, v4, vm0, $0xb8;
	[tilespmem:$0x10200] =	vst v63  }
0x2c: {  	_ = 	snop  }
0x2d: {  	[tilespmem:s29], [sflag:$0x1] =	stream.indirect_vreg.gather [hbm4b:s7+s3], $0x80, v4, vm0, $0xb8;
	[tilespmem:$0x10200] =	vst v63  }
0x2e: {  	_ = 	snop  }
0x2f: {  	[tilespmem:s31], [sflag:$0x1] =	stream.indirect_vreg.gather [hbm4b:s1+s3], $0x80, v3, vm0, $0xb8;
	[tilespmem:$0x10200] =	vst v63  }
0x30: {  	_ = 	snop  }
0x31: {  	[tilespmem:s2], [sflag:$0x1] =	stream.indirect_vreg.gather [hbm4b:s5+s3], $0x80, v3, vm0, $0xb8;
	[tilespmem:$0x10200] =	vst v63  }
0x32: {  	_ = 	snop  }
0x33: {  	[tilespmem:s11], [sflag:$0x1] =	stream.indirect_vreg.gather [hbm4b:s6+s3], $0x80, v3, vm0, $0xb8;
	[tilespmem:$0x10200] =	vst v63  }
0x34: {  	_ = 	snop  }
0x35: {  	[tilespmem:s4], [sflag:$0x1] =	stream.indirect_vreg.gather [hbm4b:s7+s3], $0x80, v3, vm0, $0xb8;
	[tilespmem:$0x10200] =	vst v63  }
0x36: {  	v3 =	vld [tilespmem:$0x10];
	_ =	sdelay $0x4  }
0x37: {  	v61 =	vshll.u32 v3, $0x3  }
0x38: {  	v3 =	vand.u32 $0x7, v3;
	v4 =	vand.u32 $0xFFFFFFC0, v61  }
0x39: {  	v3 =	vor.u32 v3, v4  }
0x3a: {  	v4 =	vperm.xlane v3, v0;
	_ =	sdelay $0x1  }
0x3b: {  	v4 =	vadd.s32 v1, v4;
	_ =	sdelay $0x4  }
0x3c: {  	[tilespmem:s8], [sflag:$0x1] =	stream.indirect_vreg.gather [hbm4b:s1+s3], $0x80, v4, vm0, $0xb8;
	[tilespmem:$0x10200] =	vst v63  }
0x3d: {  	v3 =	vperm.xlane v3, v2  }
0x3e: {  	[tilespmem:s9], [sflag:$0x1] =	stream.indirect_vreg.gather [hbm4b:s5+s3], $0x80, v4, vm0, $0xb8;
	[tilespmem:$0x10200] =	vst v63  }
0x3f: {  	v3 =	vadd.s32 v1, v3  }
0x40: {  	[tilespmem:s10], [sflag:$0x1] =	stream.indirect_vreg.gather [hbm4b:s6+s3], $0x80, v4, vm0, $0xb8;
	[tilespmem:$0x10200] =	vst v63  }
0x41: {  	_ = 	snop  }
0x42: {  	[tilespmem:s13], [sflag:$0x1] =	stream.indirect_vreg.gather [hbm4b:s7+s3], $0x80, v4, vm0, $0xb8;
	[tilespmem:$0x10200] =	vst v63  }
0x43: {  	_ = 	snop  }
0x44: {  	[tilespmem:s14], [sflag:$0x1] =	stream.indirect_vreg.gather [hbm4b:s1+s3], $0x80, v3, vm0, $0xb8;
	[tilespmem:$0x10200] =	vst v63  }
0x45: {  	_ = 	snop  }
0x46: {  	[tilespmem:s15], [sflag:$0x1] =	stream.indirect_vreg.gather [hbm4b:s5+s3], $0x80, v3, vm0, $0xb8;
	[tilespmem:$0x10200] =	vst v63  }
0x47: {  	_ = 	snop  }
0x48: {  	[tilespmem:s16], [sflag:$0x1] =	stream.indirect_vreg.gather [hbm4b:s6+s3], $0x80, v3, vm0, $0xb8;
	[tilespmem:$0x10200] =	vst v63  }
0x49: {  	_ = 	snop  }
0x4a: {  	[tilespmem:s17], [sflag:$0x1] =	stream.indirect_vreg.gather [hbm4b:s7+s3], $0x80, v3, vm0, $0xb8;
	[tilespmem:$0x10200] =	vst v63  }
0x4b: {  	v3 =	vld [tilespmem:$0x20];
	_ =	sdelay $0x4  }
0x4c: {  	v62 =	vshll.u32 v3, $0x3  }
0x4d: {  	v3 =	vand.u32 $0x7, v3;
	v4 =	vand.u32 $0xFFFFFFC0, v62  }
0x4e: {  	v3 =	vor.u32 v3, v4  }
0x4f: {  	v4 =	vperm.xlane v3, v0;
	_ =	sdelay $0x1  }
0x50: {  	v4 =	vadd.s32 v1, v4;
	_ =	sdelay $0x4  }
0x51: {  	[tilespmem:s0], [sflag:$0x2] =	stream.indirect_vreg.gather [hbm4b:s1+s3], $0x80, v4, vm0, $0xb8;
	[tilespmem:$0x10200] =	vst v63  }
0x52: {  	v3 =	vperm.xlane v3, v2  }
0x53: {  	[tilespmem:s18], [sflag:$0x2] =	stream.indirect_vreg.gather [hbm4b:s5+s3], $0x80, v4, vm0, $0xb8;
	[tilespmem:$0x10200] =	vst v63  }
0x54: {  	v3 =	vadd.s32 v1, v3  }
0x55: {  	[tilespmem:s19], [sflag:$0x2] =	stream.indirect_vreg.gather [hbm4b:s6+s3], $0x80, v4, vm0, $0xb8;
	[tilespmem:$0x10200] =	vst v63  }
0x56: {  	_ = 	snop  }
0x57: {  	[tilespmem:s12], [sflag:$0x2] =	stream.indirect_vreg.gather [hbm4b:s7+s3], $0x80, v4, vm0, $0xb8;
	[tilespmem:$0x10200] =	vst v63  }
0x58: {  	s14 =	simm.s32 $0xA200  }
0x59: {  	[tilespmem:s14], [sflag:$0x2] =	stream.indirect_vreg.gather [hbm4b:s1+s3], $0x80, v3, vm0, $0xb8;
	[tilespmem:$0x10200] =	vst v63  }
0x5a: {  	s15 =	simm.s32 $0xAA00  }
0x5b: {  	[tilespmem:s15], [sflag:$0x2] =	stream.indirect_vreg.gather [hbm4b:s5+s3], $0x80, v3, vm0, $0xb8;
	[tilespmem:$0x10200] =	vst v63  }
0x5c: {  	s16 =	simm.s32 $0xB200  }
0x5d: {  	[tilespmem:s16], [sflag:$0x2] =	stream.indirect_vreg.gather [hbm4b:s6+s3], $0x80, v3, vm0, $0xb8;
	[tilespmem:$0x10200] =	vst v63  }
0x5e: {  	s17 =	simm.s32 $0xBA00  }
0x5f: {  	[tilespmem:s17], [sflag:$0x2] =	stream.indirect_vreg.gather [hbm4b:s7+s3], $0x80, v3, vm0, $0xb8;
	[tilespmem:$0x10200] =	vst v63  }
0x60: {  	v3 =	vld [tilespmem:$0x30];
	_ =	sdelay $0x4  }
0x61: {  	v63 =	vshll.u32 v3, $0x3  }
0x62: {  	v3 =	vand.u32 $0x7, v3;
	v4 =	vand.u32 $0xFFFFFFC0, v63  }
0x63: {  	v3 =	vor.u32 v3, v4  }
0x64: {  	v4 =	vperm.xlane v3, v0;
	_ =	sdelay $0x1  }
0x65: {  	v4 =	vadd.s32 v1, v4;
	_ =	sdelay $0x2  }
0x66: {  	s24 =	simm.s32 $0xD200  }
0x67: {  	s25 =	simm.s32 $0xDA00;
	s30 =	simm.s32 $0xF200;
	s18 =	simm.s32 $0xC200  }
0x68: {  	[tilespmem:s18], [sflag:$0x2] =	stream.indirect_vreg.gather [hbm4b:s1+s3], $0x80, v4, vm0, $0xb8;
	[tilespmem:$0x10200] =	vst v63  }
0x69: {  	s26 =	simm.s32 $0xE200;
	s28 =	simm.s32 $0xFA00;
	s19 =	simm.s32 $0xCA00;
	v3 =	vperm.xlane v3, v2  }
0x6a: {  	[tilespmem:s19], [sflag:$0x2] =	stream.indirect_vreg.gather [hbm4b:s5+s3], $0x80, v4, vm0, $0xb8;
	[tilespmem:$0x10200] =	vst v63  }
0x6b: {  	s29 =	simm.s32 $0xEA00;
	s31 =	simm.s32 $0x1A00;
	s2 =	simm.s32 $0x2A00;
	v3 =	vadd.s32 v1, v3  }
0x6c: {  	[tilespmem:s24], [sflag:$0x2] =	stream.indirect_vreg.gather [hbm4b:s6+s3], $0x80, v4, vm0, $0xb8;
	[tilespmem:$0x10200] =	vst v63  }
0x6d: {  	s11 =	simm.s32 $0x3200;
	s4 =	simm.s32 $0x3A00;
	s8 =	simm.s32 $0x4200  }
0x6e: {  	[tilespmem:s25], [sflag:$0x2] =	stream.indirect_vreg.gather [hbm4b:s7+s3], $0x80, v4, vm0, $0xb8;
	[tilespmem:$0x10200] =	vst v63  }
0x6f: {  	s9 =	simm.s32 $0x4A00;
	s10 =	simm.s32 $0x5200;
	s13 =	simm.s32 $0x5A00  }
0x70: {  	[tilespmem:s26], [sflag:$0x2] =	stream.indirect_vreg.gather [hbm4b:s1+s3], $0x80, v3, vm0, $0xb8;
	[tilespmem:$0x10200] =	vst v63  }
0x71: {  	s12 =	simm.s32 $0x9A00;
	s14 =	simm.s32 $0x6200;
	s15 =	simm.s32 $0x6A00  }
0x72: {  	[tilespmem:s29], [sflag:$0x2] =	stream.indirect_vreg.gather [hbm4b:s5+s3], $0x80, v3, vm0, $0xb8;
	[tilespmem:$0x10200] =	vst v63  }
0x73: {  	s16 =	simm.s32 $0x7200;
	s17 =	simm.s32 $0x7A00;
	s18 =	simm.s32 $0x8A00  }
0x74: {  	[tilespmem:s30], [sflag:$0x2] =	stream.indirect_vreg.gather [hbm4b:s6+s3], $0x80, v3, vm0, $0xb8;
	[tilespmem:$0x10200] =	vst v63  }
0x75: {  	s19 =	simm.s32 $0x9200;
	s24 =	simm.s32 $0x70;
	s25 =	simm.s32 $0x0  }
0x76: {  	[tilespmem:s28], [sflag:$0x2] =	stream.indirect_vreg.gather [hbm4b:s7+s3], $0x80, v3, vm0, $0xb8;
	[tilespmem:$0x10200] =	vst v63  }
.LBB2_2:
0x77: {  	_ =	swait.ge [sflag:s20], $0x8000  }
0x78: {  	s26 =	rddreg [dreg:$0x4];
	[sflag:s20] =	ssyncset.done $0x0  }
0x79: {  	s0 =	simm.s32 $0x200;
	[sflag:s20] =	ssyncadd.s32 $0xFFFF8000;
	s26 =	sadd.s32 s25, s26  }
0x7a: {  	[hbm4b:s26+s3] =	stream.linear.scatter [tilespmem:s0], [sflag:$0x3], $0x8000, $0x38;
	[tilespmem:$0x10200] =	vst v63  }
0x7b: {  	_ =	swait.ge [sflag:s21], $0x8000  }
0x7c: {  	[sflag:s21] =	ssyncset.done $0x0  }
0x7d: {  	[sflag:s21] =	ssyncadd.s32 $0xFFFF8000  }
0x7e: {  	v3 =	vld [tilespmem:s24+$0xFFFFFFD0];
	_ =	sdelay $0x4  }
0x7f: {  	v4 =	vshll.u32 v3, $0x3  }
0x80: {  	v3 =	vand.u32 $0x7, v3;
	v4 =	vand.u32 $0xFFFFFFC0, v4  }
0x81: {  	v3 =	vor.u32 v3, v4  }
0x82: {  	v4 =	vperm.xlane v3, v0;
	_ =	sdelay $0x1  }
0x83: {  	v4 =	vadd.s32 v1, v4;
	_ =	sdelay $0x4  }
0x84: {  	[tilespmem:s0], [sflag:$0x1] =	stream.indirect_vreg.gather [hbm4b:s1+s3], $0x80, v4, vm0, $0xb8;
	[tilespmem:$0x10200] =	vst v63  }
0x85: {  	s29 =	simm.s32 $0xA00;
	v3 =	vperm.xlane v3, v2  }
0x86: {  	[tilespmem:s29], [sflag:$0x1] =	stream.indirect_vreg.gather [hbm4b:s5+s3], $0x80, v4, vm0, $0xb8;
	[tilespmem:$0x10200] =	vst v63  }
0x87: {  	s26 =	simm.s32 $0x1200;
	v3 =	vadd.s32 v1, v3  }
0x88: {  	[tilespmem:s26], [sflag:$0x1] =	stream.indirect_vreg.gather [hbm4b:s6+s3], $0x80, v4, vm0, $0xb8;
	[tilespmem:$0x10200] =	vst v63  }
0x89: {  	_ = 	snop  }
0x8a: {  	[tilespmem:s31], [sflag:$0x1] =	stream.indirect_vreg.gather [hbm4b:s7+s3], $0x80, v4, vm0, $0xb8;
	[tilespmem:$0x10200] =	vst v63  }
0x8b: {  	s29 =	simm.s32 $0x2200  }
0x8c: {  	[tilespmem:s29], [sflag:$0x1] =	stream.indirect_vreg.gather [hbm4b:s1+s3], $0x80, v3, vm0, $0xb8;
	[tilespmem:$0x10200] =	vst v63  }
0x8d: {  	_ = 	snop  }
0x8e: {  	[tilespmem:s2], [sflag:$0x1] =	stream.indirect_vreg.gather [hbm4b:s5+s3], $0x80, v3, vm0, $0xb8;
	[tilespmem:$0x10200] =	vst v63  }
0x8f: {  	_ = 	snop  }
0x90: {  	[tilespmem:s11], [sflag:$0x1] =	stream.indirect_vreg.gather [hbm4b:s6+s3], $0x80, v3, vm0, $0xb8;
	[tilespmem:$0x10200] =	vst v63  }
0x91: {  	_ = 	snop  }
0x92: {  	[tilespmem:s4], [sflag:$0x1] =	stream.indirect_vreg.gather [hbm4b:s7+s3], $0x80, v3, vm0, $0xb8;
	[tilespmem:$0x10200] =	vst v63  }
0x93: {  	v3 =	vld [tilespmem:s24+$0xFFFFFFE0];
	_ =	sdelay $0x4  }
0x94: {  	v61 =	vshll.u32 v3, $0x3  }
0x95: {  	v3 =	vand.u32 $0x7, v3;
	v4 =	vand.u32 $0xFFFFFFC0, v61  }
0x96: {  	v3 =	vor.u32 v3, v4  }
0x97: {  	v4 =	vperm.xlane v3, v0;
	_ =	sdelay $0x1  }
0x98: {  	v4 =	vadd.s32 v1, v4;
	_ =	sdelay $0x4  }
0x99: {  	[tilespmem:s8], [sflag:$0x1] =	stream.indirect_vreg.gather [hbm4b:s1+s3], $0x80, v4, vm0, $0xb8;
	[tilespmem:$0x10200] =	vst v63  }
0x9a: {  	v3 =	vperm.xlane v3, v2  }
0x9b: {  	[tilespmem:s9], [sflag:$0x1] =	stream.indirect_vreg.gather [hbm4b:s5+s3], $0x80, v4, vm0, $0xb8;
	[tilespmem:$0x10200] =	vst v63  }
0x9c: {  	v3 =	vadd.s32 v1, v3  }
0x9d: {  	[tilespmem:s10], [sflag:$0x1] =	stream.indirect_vreg.gather [hbm4b:s6+s3], $0x80, v4, vm0, $0xb8;
	[tilespmem:$0x10200] =	vst v63  }
0x9e: {  	_ = 	snop  }
0x9f: {  	[tilespmem:s13], [sflag:$0x1] =	stream.indirect_vreg.gather [hbm4b:s7+s3], $0x80, v4, vm0, $0xb8;
	[tilespmem:$0x10200] =	vst v63  }
0xa0: {  	_ = 	snop  }
0xa1: {  	[tilespmem:s14], [sflag:$0x1] =	stream.indirect_vreg.gather [hbm4b:s1+s3], $0x80, v3, vm0, $0xb8;
	[tilespmem:$0x10200] =	vst v63  }
0xa2: {  	_ = 	snop  }
0xa3: {  	[tilespmem:s15], [sflag:$0x1] =	stream.indirect_vreg.gather [hbm4b:s5+s3], $0x80, v3, vm0, $0xb8;
	[tilespmem:$0x10200] =	vst v63  }
0xa4: {  	_ = 	snop  }
0xa5: {  	[tilespmem:s16], [sflag:$0x1] =	stream.indirect_vreg.gather [hbm4b:s6+s3], $0x80, v3, vm0, $0xb8;
	[tilespmem:$0x10200] =	vst v63  }
0xa6: {  	_ = 	snop  }
0xa7: {  	[tilespmem:s17], [sflag:$0x1] =	stream.indirect_vreg.gather [hbm4b:s7+s3], $0x80, v3, vm0, $0xb8;
	[tilespmem:$0x10200] =	vst v63  }
0xa8: {  	_ =	swait.ge [sflag:s22], $0x8000  }
0xa9: {  	s0 =	rddreg [dreg:$0x5];
	[sflag:s22] =	ssyncset.done $0x0  }
0xaa: {  	s29 =	simm.s32 $0x8200;
	[sflag:s22] =	ssyncadd.s32 $0xFFFF8000;
	s26 =	sadd.s32 s25, s0  }
0xab: {  	[hbm4b:s26+s3] =	stream.linear.scatter [tilespmem:s29], [sflag:$0x4], $0x8000, $0x38;
	[tilespmem:$0x10200] =	vst v63  }
0xac: {  	_ =	swait.ge [sflag:s23], $0x8000  }
0xad: {  	[sflag:s23] =	ssyncset.done $0x0  }
0xae: {  	[sflag:s23] =	ssyncadd.s32 $0xFFFF8000  }
0xaf: {  	v3 =	vld [tilespmem:s24+$0xFFFFFFF0];
	_ =	sdelay $0x4  }
0xb0: {  	v62 =	vshll.u32 v3, $0x3  }
0xb1: {  	v3 =	vand.u32 $0x7, v3;
	v4 =	vand.u32 $0xFFFFFFC0, v62  }
0xb2: {  	v3 =	vor.u32 v3, v4  }
0xb3: {  	v4 =	vperm.xlane v3, v0;
	_ =	sdelay $0x1  }
0xb4: {  	v4 =	vadd.s32 v1, v4;
	_ =	sdelay $0x4  }
0xb5: {  	[tilespmem:s29], [sflag:$0x2] =	stream.indirect_vreg.gather [hbm4b:s1+s3], $0x80, v4, vm0, $0xb8;
	[tilespmem:$0x10200] =	vst v63  }
0xb6: {  	v3 =	vperm.xlane v3, v2  }
0xb7: {  	[tilespmem:s18], [sflag:$0x2] =	stream.indirect_vreg.gather [hbm4b:s5+s3], $0x80, v4, vm0, $0xb8;
	[tilespmem:$0x10200] =	vst v63  }
0xb8: {  	v3 =	vadd.s32 v1, v3  }
0xb9: {  	[tilespmem:s19], [sflag:$0x2] =	stream.indirect_vreg.gather [hbm4b:s6+s3], $0x80, v4, vm0, $0xb8;
	[tilespmem:$0x10200] =	vst v63  }
0xba: {  	_ = 	snop  }
0xbb: {  	[tilespmem:s12], [sflag:$0x2] =	stream.indirect_vreg.gather [hbm4b:s7+s3], $0x80, v4, vm0, $0xb8;
	[tilespmem:$0x10200] =	vst v63  }
0xbc: {  	s29 =	simm.s32 $0xA200  }
0xbd: {  	[tilespmem:s29], [sflag:$0x2] =	stream.indirect_vreg.gather [hbm4b:s1+s3], $0x80, v3, vm0, $0xb8;
	[tilespmem:$0x10200] =	vst v63  }
0xbe: {  	s29 =	simm.s32 $0xAA00  }
0xbf: {  	[tilespmem:s29], [sflag:$0x2] =	stream.indirect_vreg.gather [hbm4b:s5+s3], $0x80, v3, vm0, $0xb8;
	[tilespmem:$0x10200] =	vst v63  }
0xc0: {  	s29 =	simm.s32 $0xB200  }
0xc1: {  	[tilespmem:s29], [sflag:$0x2] =	stream.indirect_vreg.gather [hbm4b:s6+s3], $0x80, v3, vm0, $0xb8;
	[tilespmem:$0x10200] =	vst v63  }
0xc2: {  	s29 =	simm.s32 $0xBA00  }
0xc3: {  	[tilespmem:s29], [sflag:$0x2] =	stream.indirect_vreg.gather [hbm4b:s7+s3], $0x80, v3, vm0, $0xb8;
	[tilespmem:$0x10200] =	vst v63  }
0xc4: {  	v3 =	vld [tilespmem:s24+$0x0];
	_ =	sdelay $0x4  }
0xc5: {  	v63 =	vshll.u32 v3, $0x3  }
0xc6: {  	v3 =	vand.u32 $0x7, v3;
	v4 =	vand.u32 $0xFFFFFFC0, v63  }
0xc7: {  	v3 =	vor.u32 v3, v4  }
0xc8: {  	v4 =	vperm.xlane v3, v0;
	_ =	sdelay $0x1  }
0xc9: {  	v4 =	vadd.s32 v1, v4;
	_ =	sdelay $0x3  }
0xca: {  	s29 =	simm.s32 $0xC200  }
0xcb: {  	[tilespmem:s29], [sflag:$0x2] =	stream.indirect_vreg.gather [hbm4b:s1+s3], $0x80, v4, vm0, $0xb8;
	[tilespmem:$0x10200] =	vst v63  }
0xcc: {  	v3 =	vperm.xlane v3, v2;
	s29 =	simm.s32 $0xCA00  }
0xcd: {  	[tilespmem:s29], [sflag:$0x2] =	stream.indirect_vreg.gather [hbm4b:s5+s3], $0x80, v4, vm0, $0xb8;
	[tilespmem:$0x10200] =	vst v63  }
0xce: {  	v3 =	vadd.s32 v1, v3;
	s29 =	simm.s32 $0xD200  }
0xcf: {  	[tilespmem:s29], [sflag:$0x2] =	stream.indirect_vreg.gather [hbm4b:s6+s3], $0x80, v4, vm0, $0xb8;
	[tilespmem:$0x10200] =	vst v63  }
0xd0: {  	s29 =	simm.s32 $0xDA00  }
0xd1: {  	[tilespmem:s29], [sflag:$0x2] =	stream.indirect_vreg.gather [hbm4b:s7+s3], $0x80, v4, vm0, $0xb8;
	[tilespmem:$0x10200] =	vst v63  }
0xd2: {  	s29 =	simm.s32 $0xE200  }
0xd3: {  	[tilespmem:s29], [sflag:$0x2] =	stream.indirect_vreg.gather [hbm4b:s1+s3], $0x80, v3, vm0, $0xb8;
	[tilespmem:$0x10200] =	vst v63  }
0xd4: {  	p0 =	sne.s32 s25, $0xC000;
	s29 =	simm.s32 $0xEA00  }
0xd5: {  	[tilespmem:s29], [sflag:$0x2] =	stream.indirect_vreg.gather [hbm4b:s5+s3], $0x80, v3, vm0, $0xb8;
	[tilespmem:$0x10200] =	vst v63  }
.Ltmp0:
0xd6: {  	_ = 	snop;
	(pc) =	sbr.rel @p0 .LBB2_2-.Ltmp0, $4  }
0xd7: {  	s30 =	simm.s32 $0x200;
	s29 =	simm.s32 $0xF200  }
0xd8: {  	[tilespmem:s29], [sflag:$0x2] =	stream.indirect_vreg.gather [hbm4b:s6+s3], $0x80, v3, vm0, $0xb8;
	[tilespmem:$0x10200] =	vst v63  }
0xd9: {  	s0 =	simm.s32 $0x8200;
	s25 =	sadd.s32 $0x2000, s25;
	s24 =	sadd.s32 $0x40, s24  }
0xda: {  	[tilespmem:s28], [sflag:$0x2] =	stream.indirect_vreg.gather [hbm4b:s7+s3], $0x80, v3, vm0, $0xb8;
	[tilespmem:$0x10200] =	vst v63  }
0xdb: {  	_ =	swait.ge [sflag:s20], $0x8000  }
0xdc: {  	[sflag:s20] =	ssyncset.done $0x0  }
0xdd: {  	s24 =	rddreg [dreg:$0x7];
	[sflag:s20] =	ssyncadd.s32 $0xFFFF8000  }
0xde: {  	[hbm4b:s24+s3] =	stream.linear.scatter [tilespmem:s30], [sflag:$0x3], $0x8000, $0x38;
	[tilespmem:$0x10200] =	vst v63  }
0xdf: {  	_ =	swait.ge [sflag:s22], $0x8000  }
0xe0: {  	[sflag:s22] =	ssyncset.done $0x0  }
0xe1: {  	s26 =	rddreg [dreg:$0x8];
	[sflag:s22] =	ssyncadd.s32 $0xFFFF8000  }
0xe2: {  	[hbm4b:s26+s3] =	stream.linear.scatter [tilespmem:s0], [sflag:$0x4], $0x8000, $0x38;
	[tilespmem:$0x10200] =	vst v63  }
0xe3: {  	_ =	swait.ge [sflag:s21], $0x8000  }
0xe4: {  	[sflag:s21] =	ssyncset.done $0x0  }
0xe5: {  	[sflag:s21] =	ssyncadd.s32 $0xFFFF8000  }
0xe6: {  	s28 =	simm.s32 $0x1200;
	_ =	swait.ge [sflag:s23], $0x8000  }
0xe7: {  	s29 =	simm.s32 $0x1A00;
	s31 =	simm.s32 $0x2200;
	s25 =	rddreg [dreg:$0xa]  }
0xe8: {  	s2 =	simm.s32 $0x2A00;
	s30 =	rddreg [dreg:$0x9];
	s25 =	sadd.s32 $0x1, s25  }
0xe9: {  	s11 =	simm.s32 $0x3200;
	s4 =	simm.s32 $0x3A00;
	p0 =	sne.s32 s25, s30  }
.Ltmp1:
0xea: {  	s8 =	simm.s32 $0x4200;
	s9 =	simm.s32 $0x4A00;
	(pc) =	sbr.rel @p0 .LBB2_1-.Ltmp1, $4  }
0xeb: {  	s10 =	simm.s32 $0x5200;
	s13 =	simm.s32 $0x5A00;
	s14 =	simm.s32 $0x6200  }
0xec: {  	s15 =	simm.s32 $0x6A00;
	s16 =	simm.s32 $0x7200;
	s17 =	simm.s32 $0x7A00  }
0xed: {  	s18 =	simm.s32 $0x8A00;
	s19 =	simm.s32 $0x9200;
	[sflag:s23] =	ssyncset.done $0x0  }
0xee: {  	s12 =	simm.s32 $0x9A00;
	s26 =	simm.s32 $0xA00;
	[sflag:s23] =	ssyncadd.s32 $0xFFFF8000  }
0xef: {  	_ =	sfence.sel $0x180000  }
0xf0: {  	[bflag:$0x0] =	sbarrier.arrive $0xFFFF  }
0xf1: {  	_ =	strace $0x90000047  }
0xf2: {  	s0 =	stileid.u32;
	[bflag:$0x2] =	sbarrier.arrive $0xFFFF  }
0xf3: {  	p0 =	sne.s32 s0, $0x0;
	s0 =	rddreg [dreg:$0x3]  }
0xf4: {  	s0 =	sadd.s32 @!p0 $0x100000, s0  }
0xf5: {  	[sflag:s0] =	ssyncadd.tile.s32 @!p0 $0x1;
	_ =	shalt  }
.Lfunc_end2:
_tile_overlayer_lowered:
.L_overlay_start_2:
0xf6: {  	(tag) =	ssettag $0x2  }
0xf7: {  	s0 =	rddreg [dreg:$0x0];
	s2 =	stileid.u32  }
0xf8: {  	s1 =	rddreg [dreg:$0x1];
	p0 =	sne.s32 s2, $0x0  }
0xf9: {  	s3 =	rddreg [dreg:$0x2];
	[bflag:$0x3] =	sbarrier.arrive $0xFFFF;
	s2 =	simm.s32 @!p0 $0x1C05  }
0xfa: {  	[timem:s3], [sflag:s2] =	dma.local @!p0 [hbm:s0], s1  }
0xfb: {  	s0 =	simm.s32 @!p0 $0x5  }
0xfc: {  	_ =	swait.ge @!p0 [sflag:s0], s1  }
0xfd: {  	s1 =	ssub.s32 @!p0 $0x0, s1;
	[sflag:s0] =	ssyncset.done @!p0 $0x0  }
0xfe: {  	[sflag:s0] =	ssyncadd.s32 @!p0 s1  }
0xff: {  	[bflag:$0x3] =	sbarrier.arrive $0xFFFF  }
0x100: {  	_ =	shalt  }

</sc_bundles>
